<compile_context>
chip_gen: v7x
topology: tpu7x:2x2x1
jax: 0.10.2.dev20260603
libtpu: 0.0.44.dev20260713+nightly
codegen_flags: <defaults>
</compile_context>

<pallas_src>
import functools

import jax
import jax.numpy as jnp
from jax import lax
from jax.experimental import pallas as pl
from jax.experimental.pallas import tpu as pltpu
from jax.experimental.pallas import tpu_sc as plsc

_NC = 2
_NS = 16
_NW = _NC * _NS
_L = 16
_CH = 1024


def _build_tables(PHM, PNM):
    H1 = PHM.reshape(12, 8).astype(jnp.int32)
    T1 = PNM.reshape(12, 8).astype(jnp.int32)
    H2 = H1[:, :, None] * 8 + H1[T1]
    T2 = T1[T1]
    H3 = H2[:, :, :, None] * 8 + H1[T2]
    T3 = T1[T2]
    F3 = ((H3.reshape(12, 512) << 4) | T3.reshape(12, 512)).reshape(-1)
    C1 = ((H1 << 4) | T1).reshape(-1)
    v = jnp.arange(1024, dtype=jnp.int32)
    S = jnp.zeros((1024,), jnp.int32)
    for b in range(10):
        S = S | (((v >> b) & 1) << (3 * b))
    return F3, C1, S


def _body(pflat, S_h, F3_h, C1_h, out, pbuf, obuf, Sv, Fv, Cv,
          *, n_points, n_chunks, chunks_per_worker):
    wid = lax.axis_index("s") * _NC + lax.axis_index("c")
    pltpu.sync_copy(S_h, Sv)
    pltpu.sync_copy(F3_h, Fv)
    pltpu.sync_copy(C1_h, Cv)
    iota3 = lax.iota(jnp.int32, _L) * 3
    last_start = n_points - _CH

    @pl.loop(0, chunks_per_worker)
    def _chunk(j):
        g = jnp.minimum(j * _NW + wid, n_chunks - 1)
        start = jnp.minimum(g * _CH, last_start)
        pltpu.sync_copy(pflat.at[pl.ds(start * 3, _CH * 3)], pbuf)

        @pl.loop(0, _CH // _L)
        def _vec(v):
            base = v * (3 * _L)
            x = plsc.load_gather(pbuf, [iota3 + base]) & 1023
            y = plsc.load_gather(pbuf, [iota3 + (base + 1)]) & 1023
            z = plsc.load_gather(pbuf, [iota3 + (base + 2)]) & 1023
            morton = ((plsc.load_gather(Sv, [x]) << 2)
                      | (plsc.load_gather(Sv, [y]) << 1)
                      | plsc.load_gather(Sv, [z]))
            v0 = plsc.load_gather(Fv, [(morton >> 21) & 511])
            a = v0 >> 4
            t = v0 & 15
            v1 = plsc.load_gather(Fv, [(t << 9) | ((morton >> 12) & 511)])
            a = (a << 9) | (v1 >> 4)
            t = v1 & 15
            v2 = plsc.load_gather(Fv, [(t << 9) | ((morton >> 3) & 511)])
            a = (a << 9) | (v2 >> 4)
            t = v2 & 15
            v3 = plsc.load_gather(Cv, [(t << 3) | (morton & 7)])
            obuf[pl.ds(v * _L, _L)] = (a << 3) | (v3 >> 4)

        pltpu.sync_copy(obuf, out.at[pl.ds(start, _CH)])


def kernel(p, PHM, PNM):
    n_points = p.shape[0]
    F3, C1, S = _build_tables(PHM, PNM)
    pflat = p.astype(jnp.int32).reshape(-1)
    n_chunks = -(-n_points // _CH)
    chunks_per_worker = -(-n_chunks // _NW)
    mesh = plsc.VectorSubcoreMesh(core_axis_name="c", subcore_axis_name="s")
    run = pl.kernel(
        functools.partial(_body, n_points=n_points, n_chunks=n_chunks,
                          chunks_per_worker=chunks_per_worker),
        out_type=jax.ShapeDtypeStruct((n_points,), jnp.int32),
        mesh=mesh,
        compiler_params=pltpu.CompilerParams(needs_layout_passes=False),
        scratch_types=[
            pltpu.VMEM((_CH * 3,), jnp.int32),
            pltpu.VMEM((_CH,), jnp.int32),
            pltpu.VMEM((1024,), jnp.int32),
            pltpu.VMEM((6144,), jnp.int32),
            pltpu.VMEM((96,), jnp.int32),
        ],
    )
    return run(pflat, S, F3, C1)

# --- scband reference (transcript-rebuilt; emitter-appended) ---
"""Pipeline reference for scband-hilbert-code-72713796322146 (READ-ONLY COPY).

The authoritative reference and input builder live on the scoring server;
editing this copy changes nothing except your own understanding.
"""

import jax, jax.numpy as jnp
import numpy as np

PHM_DATA = [[0, 1, 3, 2, 7, 6, 4, 5], [4, 5, 7, 6, 3, 2, 0, 1], [6, 7, 5, 4, 1, 0, 2, 3], [2, 3, 1, 0, 5, 4, 6, 7], [0, 1, 7, 6, 3, 2, 4, 5], [4, 5, 3, 2, 7, 6, 0, 1], [2, 3, 5, 4, 1, 0, 6, 7], [6, 7, 1, 0, 5, 4, 2, 3], [0, 7, 3, 4, 1, 6, 2, 5], [2, 5, 1, 6, 3, 4, 0, 7], [4, 3, 5, 2, 7, 0, 6, 1], [4, 3, 7, 0, 5, 2, 6, 1]]
PNM_DATA = [[8, 4, 3, 4, 10, 5, 3, 5], [2, 4, 11, 4, 2, 5, 9, 5], [1, 7, 8, 8, 1, 6, 10, 10], [11, 11, 0, 7, 9, 9, 0, 6], [8, 0, 11, 1, 6, 0, 6, 1], [10, 10, 9, 9, 0, 7, 1, 7], [10, 10, 9, 9, 4, 2, 4, 3], [2, 8, 3, 11, 2, 5, 3, 5], [0, 2, 9, 9, 4, 7, 4, 7], [1, 3, 8, 8, 1, 3, 5, 6], [11, 11, 0, 2, 5, 6, 0, 2], [10, 10, 1, 3, 4, 7, 4, 7]]


def setup_inputs(seed: int = 0) -> dict:
    key = jax.random.key(seed)
    p = jax.random.randint(key, (2000000, 3), 0, 1024, dtype=jnp.int32)
    PHM = jnp.asarray(np.array(PHM_DATA, dtype=np.int32).reshape(-1, 2, 2, 2))
    PNM = jnp.asarray(np.array(PNM_DATA, dtype=np.int32).reshape(-1, 2, 2, 2))
    return {"p": p, "PHM": PHM, "PNM": PNM}


def reference(p, PHM, PNM):
    m = 10
    p = p.astype(jnp.int32)
    a = jnp.zeros(p.shape[:-1], dtype=jnp.int32)
    T = jnp.zeros(p.shape[:-1], dtype=jnp.int32)
    for q in range(m):
        x = jnp.bitwise_and(jnp.right_shift(p, m - q - 1), 1)
        i = x[..., 0]
        j = x[..., 1]
        k = x[..., 2]
        a = jnp.bitwise_or(jnp.left_shift(a, 3), PHM[T, i, j, k])
        T = PNM[T, i, j, k]
    return a

if __name__ == "__main__":
    import jax
    _d = setup_inputs()
    print(jax.jit(kernel)(*tuple(_d.values())))

</pallas_src>

<mosaic_0001>
#map = affine_map<(d0, d1) -> (0)>
module attributes {stable_mosaic.version = 14 : i64} {
  func.func @_body(%arg0: i32, %arg1: i32, %arg2: memref<6000000xi32, #tpu.memory_space<hbm>>, %arg3: memref<1024xi32, #tpu.memory_space<hbm>>, %arg4: memref<6144xi32, #tpu.memory_space<hbm>>, %arg5: memref<96xi32, #tpu.memory_space<hbm>>, %arg6: memref<2000000xi32, #tpu.memory_space<hbm>>, %arg7: memref<3072xi32, #tpu.memory_space<vmem>>, %arg8: memref<1024xi32, #tpu.memory_space<vmem>>, %arg9: memref<1024xi32, #tpu.memory_space<vmem>>, %arg10: memref<6144xi32, #tpu.memory_space<vmem>>, %arg11: memref<96xi32, #tpu.memory_space<vmem>>) attributes {dimension_semantics = [#tpu.dimension_semantics<core_parallel>, #tpu.dimension_semantics<subcore_parallel>], iteration_bounds = array<i64: 2, 16>, scalar_prefetch = 0 : i64, scratch_operands = 5 : i64, tpu.core_type = #tpu.core_type<sc_vector_subcore>, window_params = [{transform_indices = #map}, {transform_indices = #map}, {transform_indices = #map}, {transform_indices = #map}, {transform_indices = #map}]} {
    %mul3A = arith.constant 2 : i32
    %mul3A_0 = arith.muli %arg1, %mul3A : i32
    %add3A = arith.addi %mul3A_0, %arg0 : i32
    "tpu.region"() ({
      %run_scoped3A = tpu.sem_alloc : memref<!tpu.dma_semaphore, #tpu.memory_space<semaphore_mem>>
      tpu.enqueue_dma source(%arg3 : memref<1024xi32, #tpu.memory_space<hbm>>) target(%arg9 : memref<1024xi32, #tpu.memory_space<vmem>>) target_semaphore(%run_scoped3A : memref<!tpu.dma_semaphore, #tpu.memory_space<semaphore_mem>>)
      tpu.wait_dma2 semaphore(%run_scoped3A : memref<!tpu.dma_semaphore, #tpu.memory_space<semaphore_mem>>) src(%arg3 : memref<1024xi32, #tpu.memory_space<hbm>>) dst(%arg9 : memref<1024xi32, #tpu.memory_space<vmem>>)
      tpu.yield
    }) : () -> ()
    "tpu.region"() ({
      %run_scoped3A = tpu.sem_alloc : memref<!tpu.dma_semaphore, #tpu.memory_space<semaphore_mem>>
      tpu.enqueue_dma source(%arg4 : memref<6144xi32, #tpu.memory_space<hbm>>) target(%arg10 : memref<6144xi32, #tpu.memory_space<vmem>>) target_semaphore(%run_scoped3A : memref<!tpu.dma_semaphore, #tpu.memory_space<semaphore_mem>>)
      tpu.wait_dma2 semaphore(%run_scoped3A : memref<!tpu.dma_semaphore, #tpu.memory_space<semaphore_mem>>) src(%arg4 : memref<6144xi32, #tpu.memory_space<hbm>>) dst(%arg10 : memref<6144xi32, #tpu.memory_space<vmem>>)
      tpu.yield
    }) : () -> ()
    "tpu.region"() ({
      %run_scoped3A = tpu.sem_alloc : memref<!tpu.dma_semaphore, #tpu.memory_space<semaphore_mem>>
      tpu.enqueue_dma source(%arg5 : memref<96xi32, #tpu.memory_space<hbm>>) target(%arg11 : memref<96xi32, #tpu.memory_space<vmem>>) target_semaphore(%run_scoped3A : memref<!tpu.dma_semaphore, #tpu.memory_space<semaphore_mem>>)
      tpu.wait_dma2 semaphore(%run_scoped3A : memref<!tpu.dma_semaphore, #tpu.memory_space<semaphore_mem>>) src(%arg5 : memref<96xi32, #tpu.memory_space<hbm>>) dst(%arg11 : memref<96xi32, #tpu.memory_space<vmem>>)
      tpu.yield
    }) : () -> ()
    %iota3A = tpu.iota {dimensions = array<i32: 0>} : vector<16xi32>
    %mul3A_1 = arith.constant 3 : i32
    %mul3A_2 = vector.broadcast %mul3A_1 : i32 to vector<16xi32>
    %mul3A_3 = arith.muli %iota3A, %mul3A_2 : vector<16xi32>
    %scan3A = arith.constant 0 : i32
    %scan3A_4 = arith.constant 62 : i32
    %scan3A_5 = arith.addi %scan3A, %scan3A_4 : i32
    %scan3A_6 = arith.constant 1 : i32
    scf.for %scan3A_8 = %scan3A to %scan3A_5 step %scan3A_6  : i32 {
      %mul3A_9 = arith.constant 1 : i32
      %mul3A_10 = arith.muli %scan3A_8, %mul3A_9 : i32
      %add3A_11 = arith.constant 0 : i32
      %add3A_12 = arith.addi %add3A_11, %mul3A_10 : i32
      %mul3A_13 = arith.constant 32 : i32
      %mul3A_14 = arith.muli %add3A_12, %mul3A_13 : i32
      %add3A_15 = arith.addi %mul3A_14, %add3A : i32
      %min3A = arith.constant 1953 : i32
      %min3A_16 = arith.minsi %add3A_15, %min3A : i32
      %mul3A_17 = arith.constant 1024 : i32
      %mul3A_18 = arith.muli %min3A_16, %mul3A_17 : i32
      %min3A_19 = arith.constant 1998976 : i32
      %min3A_20 = arith.minsi %mul3A_18, %min3A_19 : i32
      %mul3A_21 = arith.constant 3 : i32
      %mul3A_22 = arith.muli %min3A_20, %mul3A_21 : i32
      "tpu.region"() ({
        %run_scoped3A = tpu.sem_alloc : memref<!tpu.dma_semaphore, #tpu.memory_space<semaphore_mem>>
        %dma_start3A = tpu.memref_slice %arg2[%mul3A_22] : memref<6000000xi32, #tpu.memory_space<hbm>> -> memref<3072xi32, #tpu.memory_space<hbm>>
        %dma_start3A_28 = tpu.memref_slice %arg2[%mul3A_22] : memref<6000000xi32, #tpu.memory_space<hbm>> -> memref<3072xi32, #tpu.memory_space<hbm>>
        tpu.enqueue_dma source(%dma_start3A_28 : memref<3072xi32, #tpu.memory_space<hbm>>) target(%arg7 : memref<3072xi32, #tpu.memory_space<vmem>>) target_semaphore(%run_scoped3A : memref<!tpu.dma_semaphore, #tpu.memory_space<semaphore_mem>>)
        %dma_wait3A = tpu.memref_slice %arg2[%mul3A_22] : memref<6000000xi32, #tpu.memory_space<hbm>> -> memref<3072xi32, #tpu.memory_space<hbm>>
        %dma_wait3A_29 = tpu.memref_slice %arg2[%mul3A_22] : memref<6000000xi32, #tpu.memory_space<hbm>> -> memref<3072xi32, #tpu.memory_space<hbm>>
        tpu.wait_dma2 semaphore(%run_scoped3A : memref<!tpu.dma_semaphore, #tpu.memory_space<semaphore_mem>>) src(%dma_wait3A_29 : memref<3072xi32, #tpu.memory_space<hbm>>) dst(%arg7 : memref<3072xi32, #tpu.memory_space<vmem>>)
        tpu.yield
      }) : () -> ()
      %scan3A_23 = arith.constant 0 : i32
      %scan3A_24 = arith.constant 64 : i32
      %scan3A_25 = arith.addi %scan3A_23, %scan3A_24 : i32
      %scan3A_26 = arith.constant 1 : i32
      scf.for %scan3A_28 = %scan3A_23 to %scan3A_25 step %scan3A_26  : i32 {
        %mul3A_29 = arith.constant 1 : i32
        %mul3A_30 = arith.muli %scan3A_28, %mul3A_29 : i32
        %add3A_31 = arith.constant 0 : i32
        %add3A_32 = arith.addi %add3A_31, %mul3A_30 : i32
        %mul3A_33 = arith.constant 48 : i32
        %mul3A_34 = arith.muli %add3A_32, %mul3A_33 : i32
        %add3A_35 = vector.broadcast %mul3A_34 : i32 to vector<16xi32>
        %add3A_36 = arith.addi %mul3A_3, %add3A_35 : vector<16xi32>
        %gather3A = tpu.vector_load_idx %arg7[%add3A_36] : memref<3072xi32, #tpu.memory_space<vmem>>[vector<16xi32>], vector<16xi32>,
        %and3A = arith.constant 1023 : i32
        %and3A_37 = vector.broadcast %and3A : i32 to vector<16xi32>
        %and3A_38 = arith.andi %gather3A, %and3A_37 : vector<16xi32>
        %add3A_39 = arith.constant 1 : i32
        %add3A_40 = arith.addi %mul3A_34, %add3A_39 : i32
        %add3A_41 = vector.broadcast %add3A_40 : i32 to vector<16xi32>
        %add3A_42 = arith.addi %mul3A_3, %add3A_41 : vector<16xi32>
        %gather3A_43 = tpu.vector_load_idx %arg7[%add3A_42] : memref<3072xi32, #tpu.memory_space<vmem>>[vector<16xi32>], vector<16xi32>,
        %and3A_44 = arith.constant 1023 : i32
        %and3A_45 = vector.broadcast %and3A_44 : i32 to vector<16xi32>
        %and3A_46 = arith.andi %gather3A_43, %and3A_45 : vector<16xi32>
        %add3A_47 = arith.constant 2 : i32
        %add3A_48 = arith.addi %mul3A_34, %add3A_47 : i32
        %add3A_49 = vector.broadcast %add3A_48 : i32 to vector<16xi32>
        %add3A_50 = arith.addi %mul3A_3, %add3A_49 : vector<16xi32>
        %gather3A_51 = tpu.vector_load_idx %arg7[%add3A_50] : memref<3072xi32, #tpu.memory_space<vmem>>[vector<16xi32>], vector<16xi32>,
        %and3A_52 = arith.constant 1023 : i32
        %and3A_53 = vector.broadcast %and3A_52 : i32 to vector<16xi32>
        %and3A_54 = arith.andi %gather3A_51, %and3A_53 : vector<16xi32>
        %gather3A_55 = tpu.vector_load_idx %arg9[%and3A_38] : memref<1024xi32, #tpu.memory_space<vmem>>[vector<16xi32>], vector<16xi32>,
        %shift_left3A = arith.constant 2 : i32
        %shift_left3A_56 = vector.broadcast %shift_left3A : i32 to vector<16xi32>
        %shift_left3A_57 = arith.shli %gather3A_55, %shift_left3A_56 : vector<16xi32>
        %gather3A_58 = tpu.vector_load_idx %arg9[%and3A_46] : memref<1024xi32, #tpu.memory_space<vmem>>[vector<16xi32>], vector<16xi32>,
        %shift_left3A_59 = arith.constant 1 : i32
        %shift_left3A_60 = vector.broadcast %shift_left3A_59 : i32 to vector<16xi32>
        %shift_left3A_61 = arith.shli %gather3A_58, %shift_left3A_60 : vector<16xi32>
        %or3A = arith.ori %shift_left3A_57, %shift_left3A_61 : vector<16xi32>
        %gather3A_62 = tpu.vector_load_idx %arg9[%and3A_54] : memref<1024xi32, #tpu.memory_space<vmem>>[vector<16xi32>], vector<16xi32>,
        %or3A_63 = arith.ori %or3A, %gather3A_62 : vector<16xi32>
        %shift_right_arithmetic3A = arith.constant 21 : i32
        %shift_right_arithmetic3A_64 = vector.broadcast %shift_right_arithmetic3A : i32 to vector<16xi32>
        %shift_right_arithmetic3A_65 = arith.shrsi %or3A_63, %shift_right_arithmetic3A_64 : vector<16xi32>
        %and3A_66 = arith.constant 511 : i32
        %and3A_67 = vector.broadcast %and3A_66 : i32 to vector<16xi32>
        %and3A_68 = arith.andi %shift_right_arithmetic3A_65, %and3A_67 : vector<16xi32>
        %gather3A_69 = tpu.vector_load_idx %arg10[%and3A_68] : memref<6144xi32, #tpu.memory_space<vmem>>[vector<16xi32>], vector<16xi32>,
        %shift_right_arithmetic3A_70 = arith.constant 4 : i32
        %shift_right_arithmetic3A_71 = vector.broadcast %shift_right_arithmetic3A_70 : i32 to vector<16xi32>
        %shift_right_arithmetic3A_72 = arith.shrsi %gather3A_69, %shift_right_arithmetic3A_71 : vector<16xi32>
        %and3A_73 = arith.constant 15 : i32
        %and3A_74 = vector.broadcast %and3A_73 : i32 to vector<16xi32>
        %and3A_75 = arith.andi %gather3A_69, %and3A_74 : vector<16xi32>
        %shift_left3A_76 = arith.constant 9 : i32
        %shift_left3A_77 = vector.broadcast %shift_left3A_76 : i32 to vector<16xi32>
        %shift_left3A_78 = arith.shli %and3A_75, %shift_left3A_77 : vector<16xi32>
        %shift_right_arithmetic3A_79 = arith.constant 12 : i32
        %shift_right_arithmetic3A_80 = vector.broadcast %shift_right_arithmetic3A_79 : i32 to vector<16xi32>
        %shift_right_arithmetic3A_81 = arith.shrsi %or3A_63, %shift_right_arithmetic3A_80 : vector<16xi32>
        %and3A_82 = arith.constant 511 : i32
        %and3A_83 = vector.broadcast %and3A_82 : i32 to vector<16xi32>
        %and3A_84 = arith.andi %shift_right_arithmetic3A_81, %and3A_83 : vector<16xi32>
        %or3A_85 = arith.ori %shift_left3A_78, %and3A_84 : vector<16xi32>
        %gather3A_86 = tpu.vector_load_idx %arg10[%or3A_85] : memref<6144xi32, #tpu.memory_space<vmem>>[vector<16xi32>], vector<16xi32>,
        %shift_left3A_87 = arith.constant 9 : i32
        %shift_left3A_88 = vector.broadcast %shift_left3A_87 : i32 to vector<16xi32>
        %shift_left3A_89 = arith.shli %shift_right_arithmetic3A_72, %shift_left3A_88 : vector<16xi32>
        %shift_right_arithmetic3A_90 = arith.constant 4 : i32
        %shift_right_arithmetic3A_91 = vector.broadcast %shift_right_arithmetic3A_90 : i32 to vector<16xi32>
        %shift_right_arithmetic3A_92 = arith.shrsi %gather3A_86, %shift_right_arithmetic3A_91 : vector<16xi32>
        %or3A_93 = arith.ori %shift_left3A_89, %shift_right_arithmetic3A_92 : vector<16xi32>
        %and3A_94 = arith.constant 15 : i32
        %and3A_95 = vector.broadcast %and3A_94 : i32 to vector<16xi32>
        %and3A_96 = arith.andi %gather3A_86, %and3A_95 : vector<16xi32>
        %shift_left3A_97 = arith.constant 9 : i32
        %shift_left3A_98 = vector.broadcast %shift_left3A_97 : i32 to vector<16xi32>
        %shift_left3A_99 = arith.shli %and3A_96, %shift_left3A_98 : vector<16xi32>
        %shift_right_arithmetic3A_100 = arith.constant 3 : i32
        %shift_right_arithmetic3A_101 = vector.broadcast %shift_right_arithmetic3A_100 : i32 to vector<16xi32>
        %shift_right_arithmetic3A_102 = arith.shrsi %or3A_63, %shift_right_arithmetic3A_101 : vector<16xi32>
        %and3A_103 = arith.constant 511 : i32
        %and3A_104 = vector.broadcast %and3A_103 : i32 to vector<16xi32>
        %and3A_105 = arith.andi %shift_right_arithmetic3A_102, %and3A_104 : vector<16xi32>
        %or3A_106 = arith.ori %shift_left3A_99, %and3A_105 : vector<16xi32>
        %gather3A_107 = tpu.vector_load_idx %arg10[%or3A_106] : memref<6144xi32, #tpu.memory_space<vmem>>[vector<16xi32>], vector<16xi32>,
        %shift_left3A_108 = arith.constant 9 : i32
        %shift_left3A_109 = vector.broadcast %shift_left3A_108 : i32 to vector<16xi32>
        %shift_left3A_110 = arith.shli %or3A_93, %shift_left3A_109 : vector<16xi32>
        %shift_right_arithmetic3A_111 = arith.constant 4 : i32
        %shift_right_arithmetic3A_112 = vector.broadcast %shift_right_arithmetic3A_111 : i32 to vector<16xi32>
        %shift_right_arithmetic3A_113 = arith.shrsi %gather3A_107, %shift_right_arithmetic3A_112 : vector<16xi32>
        %or3A_114 = arith.ori %shift_left3A_110, %shift_right_arithmetic3A_113 : vector<16xi32>
        %and3A_115 = arith.constant 15 : i32
        %and3A_116 = vector.broadcast %and3A_115 : i32 to vector<16xi32>
        %and3A_117 = arith.andi %gather3A_107, %and3A_116 : vector<16xi32>
        %shift_left3A_118 = arith.constant 3 : i32
        %shift_left3A_119 = vector.broadcast %shift_left3A_118 : i32 to vector<16xi32>
        %shift_left3A_120 = arith.shli %and3A_117, %shift_left3A_119 : vector<16xi32>
        %and3A_121 = arith.constant 7 : i32
        %and3A_122 = vector.broadcast %and3A_121 : i32 to vector<16xi32>
        %and3A_123 = arith.andi %or3A_63, %and3A_122 : vector<16xi32>
        %or3A_124 = arith.ori %shift_left3A_120, %and3A_123 : vector<16xi32>
        %gather3A_125 = tpu.vector_load_idx %arg11[%or3A_124] : memref<96xi32, #tpu.memory_space<vmem>>[vector<16xi32>], vector<16xi32>,
        %shift_left3A_126 = arith.constant 3 : i32
        %shift_left3A_127 = vector.broadcast %shift_left3A_126 : i32 to vector<16xi32>
        %shift_left3A_128 = arith.shli %or3A_114, %shift_left3A_127 : vector<16xi32>
        %shift_right_arithmetic3A_129 = arith.constant 4 : i32
        %shift_right_arithmetic3A_130 = vector.broadcast %shift_right_arithmetic3A_129 : i32 to vector<16xi32>
        %shift_right_arithmetic3A_131 = arith.shrsi %gather3A_125, %shift_right_arithmetic3A_130 : vector<16xi32>
        %or3A_132 = arith.ori %shift_left3A_128, %shift_right_arithmetic3A_131 : vector<16xi32>
        %mul3A_133 = arith.constant 16 : i32
        %mul3A_134 = arith.muli %add3A_32, %mul3A_133 : i32
        %swap3A = arith.index_cast %mul3A_134 : i32 to index
        %swap3A_135 = tpu.vector_load %arg8[%swap3A] {strides = array<i32>} : memref<1024xi32, #tpu.memory_space<vmem>>, vector<16xi32>,
        tpu.vector_store %arg8[%swap3A], %or3A_132 {strides = array<i32>} : memref<1024xi32, #tpu.memory_space<vmem>>, vector<16xi32>,
      }
      %scan3A_27 = arith.constant 64 : i32
      "tpu.region"() ({
        %run_scoped3A = tpu.sem_alloc : memref<!tpu.dma_semaphore, #tpu.memory_space<semaphore_mem>>
        %dma_start3A = tpu.memref_slice %arg6[%min3A_20] : memref<2000000xi32, #tpu.memory_space<hbm>> -> memref<1024xi32, #tpu.memory_space<hbm>>
        %dma_start3A_28 = tpu.memref_slice %arg6[%min3A_20] : memref<2000000xi32, #tpu.memory_space<hbm>> -> memref<1024xi32, #tpu.memory_space<hbm>>
        tpu.enqueue_dma source(%arg8 : memref<1024xi32, #tpu.memory_space<vmem>>) target(%dma_start3A_28 : memref<1024xi32, #tpu.memory_space<hbm>>) target_semaphore(%run_scoped3A : memref<!tpu.dma_semaphore, #tpu.memory_space<semaphore_mem>>)
        %dma_wait3A = tpu.memref_slice %arg6[%min3A_20] : memref<2000000xi32, #tpu.memory_space<hbm>> -> memref<1024xi32, #tpu.memory_space<hbm>>
        %dma_wait3A_29 = tpu.memref_slice %arg6[%min3A_20] : memref<2000000xi32, #tpu.memory_space<hbm>> -> memref<1024xi32, #tpu.memory_space<hbm>>
        tpu.wait_dma2 semaphore(%run_scoped3A : memref<!tpu.dma_semaphore, #tpu.memory_space<semaphore_mem>>) src(%arg8 : memref<1024xi32, #tpu.memory_space<vmem>>) dst(%dma_wait3A_29 : memref<1024xi32, #tpu.memory_space<hbm>>)
        tpu.yield
      }) : () -> ()
    }
    %scan3A_7 = arith.constant 62 : i32
    return
  }
}

</mosaic_0001>

<sc_bundles>
// kernel: kernel.3.cloned.1.call-start
scs
__scs_entry_jumppad:
0x0: {  	(pc) =	sbr.rel $0x88, $3  }
0x1: {  	(tag) =	ssettag $0x0;
	lr =	simm.s32 $0x1  }
0x2: {  	[smem:$0x3F9E] =	sst lr;
	_ =	strace $0xD0000000  }
0x3: {  	_ = 	snop  }
0x4: {  	_ = 	snop  }
0x5: {  	_ = 	snop  }
0x6: {  	_ = 	snop  }
0x7: {  	_ = 	snop  }
__scs_overlays_trampoline_lowered:
0x8: {  	[smem:$0x3FAD] =	sst s0  }
0x9: {  	[smem:$0x3FAE] =	sst s1  }
0xa: {  	[smem:$0x3FAF] =	sst s2  }
0xb: {  	[smem:$0x3FB0] =	sst s3  }
0xc: {  	[smem:$0x3FB1] =	sst s4  }
0xd: {  	[smem:$0x3FB2] =	sst s5  }
0xe: {  	[smem:$0x3FB3] =	sst s6  }
0xf: {  	[smem:$0x3FB4] =	sst s7  }
0x10: {  	[smem:$0x3FB5] =	sst s8  }
0x11: {  	[smem:$0x3FB6] =	sst s9;
	s0 =	simm.s32 @!p0 $0x0  }
0x12: {  	s1 =	sld [smem:$0x3F9C];
	s0 =	simm.s32 @p0 $0x1  }
0x13: {  	[smem:$0x3FB7] =	sst s0;
	s0 =	simm.s32 @!p1 $0x0  }
0x14: {  	s2 =	sld [smem:$0x3F9B];
	s0 =	simm.s32 @p1 $0x1  }
0x15: {  	[smem:$0x3FB8] =	sst s0;
	s0 =	simm.s32 @!p2 $0x0  }
0x16: {  	s3 =	sld [smem:$0x3FDB];
	s0 =	simm.s32 @p2 $0x1  }
0x17: {  	s4 =	simm.s32 $0x1BF5;
	[smem:$0x3FBA] =	sst s0  }
0x18: {  	s0 =	sld [smem:$0x3F9D];
	_ =	swait.ge [sflag:s4], $0x0  }
0x19: {  	s7 =	sld [smem:$0x3F9E]  }
0x1a: {  	s8 =	sadd.s32 $0xFFFFE003, lr  }
0x1b: {  	s9 =	sadd.s32 $0xFFFFFEF7, lr;
	s5 =	simm.s32 $0xFFFFFFFF;
	p2 =	slt.u32 s8, $0xFFFFF086  }
0x1c: {  	p1 =	slt.u32 s9, $0xF7A;
	s5 =	simm.s32 @!p2 $0x0  }
0x1d: {  	s5 =	simm.s32 @p1 $0x1;
	p0 =	seq.s32 s7, s2  }
0x1e: {  	s7 =	smul.u32 @!p0 $0xF7A, s2;
	p2 =	seq.s32 @!p0 s5, $0x0  }
0x1f: {  	s9 =	smul.u32 $0xF7A, s1;
	s8 =	simm.s32 @!p0 $0x1BF5;
	p2 =	por !p2, p0  }
0x20: {  	[sflag:s8] =	ssyncset.s32 @!p0 $0xFFFFF086;
	s6 =	sadd.s32 @!p0 s3, s7;
	s7 =	simm.s32 @!p0 $0x108  }
0x21: {  	s3 =	sadd.s32 s3, s9;
	s6 =	sadd.s32 @!p0 $0x88, s6;
	s7 =	simm.s32 @p2 $0x1082  }
0x22: {  	[simem:s7], [sflag:s8] =	dma.local @!p0 [hbm:s6], $0xF7A  }
0x23: {  	s9 =	sor.u32 $0xD0000000, s2;
	s6 =	simm.s32 $0x108;
	_ =	swait.ge @!p0 [sflag:s8], $0x0  }
0x24: {  	s3 =	sadd.s32 $0x88, s3;
	s6 =	simm.s32 @!p1 $0x1082;
	[sflag:s4] =	ssyncset.s32 $0xFFFFF086  }
0x25: {  	[simem:s6], [sflag:s4] =	dma.local [hbm:s3], $0xF7A  }
0x26: {  	[smem:$0x3F9E] =	sst s1;
	(tag) =	ssettag s2;
	_ =	strace s9  }
0x27: {  	s1 =	sld [smem:$0x3FAE]  }
0x28: {  	s2 =	sld [smem:$0x3FAF]  }
0x29: {  	s4 =	sld [smem:$0x3FB1]  }
0x2a: {  	p0 =	seq.s32 s5, $0x0;
	s5 =	sld [smem:$0x3FB2]  }
0x2b: {  	s6 =	sld [smem:$0x3FB3]  }
0x2c: {  	s7 =	sld [smem:$0x3FB4]  }
0x2d: {  	s3 =	simm.s32 $0x108;
	s8 =	sld [smem:$0x3FB5]  }
0x2e: {  	s3 =	simm.s32 @!p0 $0x1082;
	s9 =	sld [smem:$0x3FB6]  }
0x2f: {  	lr =	sadd.s32 s0, s3;
	s0 =	sld [smem:$0x3FAD]  }
0x30: {  	s3 =	sld [smem:$0x3FB0]  }
0x31: {  	[smem:$0x3FB9] =	sst s10  }
0x32: {  	s10 =	sld [smem:$0x3FB7];
	_ =	sdelay $0x3  }
0x33: {  	p0 =	seq.s32 s10, $0x1;
	s10 =	sld [smem:$0x3FB9];
	_ =	sdelay $0x3  }
0x34: {  	[smem:$0x3FB9] =	sst s10  }
0x35: {  	s10 =	sld [smem:$0x3FB8];
	_ =	sdelay $0x3  }
0x36: {  	p1 =	seq.s32 s10, $0x1;
	s10 =	sld [smem:$0x3FB9];
	_ =	sdelay $0x3  }
0x37: {  	[smem:$0x3FB9] =	sst s10  }
0x38: {  	s10 =	sld [smem:$0x3FBA]  }
0x39: {  	_ = 	snop;
	(pc) =	sbr.ind lr, $3  }
0x3a: {  	_ = 	snop  }
0x3b: {  	_ = 	snop  }
0x3c: {  	p2 =	seq.s32 s10, $0x1;
	s10 =	sld [smem:$0x3FB9]  }
0x3d: {  	_ =	shalt  }
0x3e: {  	_ =	shalt  }
0x3f: {  	_ =	shalt  }
0x40: {  	_ =	shalt  }
0x41: {  	_ =	shalt  }
0x42: {  	_ =	shalt  }
0x43: {  	_ =	shalt  }
0x44: {  	_ =	shalt  }
0x45: {  	_ =	shalt  }
0x46: {  	_ =	shalt  }
0x47: {  	_ =	shalt  }
0x48: {  	_ =	shalt  }
0x49: {  	_ =	shalt  }
0x4a: {  	_ =	shalt  }
0x4b: {  	_ =	shalt  }
0x4c: {  	_ =	shalt  }
0x4d: {  	_ =	shalt  }
0x4e: {  	_ =	shalt  }
0x4f: {  	_ =	shalt  }
0x50: {  	_ =	shalt  }
0x51: {  	_ =	shalt  }
0x52: {  	_ =	shalt  }
0x53: {  	_ =	shalt  }
0x54: {  	_ =	shalt  }
0x55: {  	_ =	shalt  }
0x56: {  	_ =	shalt  }
0x57: {  	_ =	shalt  }
0x58: {  	_ =	shalt  }
0x59: {  	_ =	shalt  }
0x5a: {  	_ =	shalt  }
0x5b: {  	_ =	shalt  }
0x5c: {  	_ =	shalt  }
0x5d: {  	_ =	shalt  }
0x5e: {  	_ =	shalt  }
0x5f: {  	_ =	shalt  }
0x60: {  	_ =	shalt  }
0x61: {  	_ =	shalt  }
0x62: {  	_ =	shalt  }
0x63: {  	_ =	shalt  }
0x64: {  	_ =	shalt  }
0x65: {  	_ =	shalt  }
0x66: {  	_ =	shalt  }
0x67: {  	_ =	shalt  }
0x68: {  	_ =	shalt  }
0x69: {  	_ =	shalt  }
0x6a: {  	_ =	shalt  }
0x6b: {  	_ =	shalt  }
0x6c: {  	_ =	shalt  }
0x6d: {  	_ =	shalt  }
0x6e: {  	_ =	shalt  }
0x6f: {  	_ =	shalt  }
0x70: {  	_ =	shalt  }
0x71: {  	_ =	shalt  }
0x72: {  	_ =	shalt  }
0x73: {  	_ =	shalt  }
0x74: {  	_ =	shalt  }
0x75: {  	_ =	shalt  }
0x76: {  	_ =	shalt  }
0x77: {  	_ =	shalt  }
0x78: {  	_ =	shalt  }
0x79: {  	_ =	shalt  }
0x7a: {  	_ =	shalt  }
0x7b: {  	_ =	shalt  }
0x7c: {  	_ =	shalt  }
0x7d: {  	_ =	shalt  }
0x7e: {  	_ =	shalt  }
0x7f: {  	_ =	shalt  }
0x80: {  	_ =	shalt  }
0x81: {  	_ =	shalt  }
0x82: {  	_ =	shalt  }
0x83: {  	_ =	shalt  }
0x84: {  	_ =	shalt  }
0x85: {  	_ =	shalt  }
0x86: {  	_ =	shalt  }
0x87: {  	_ =	shalt  }
.Lfunc_end0:
.L_simem_size_0:
called_computation_lowered:
.L_overlay_start_0:
0x88: {  	s2 =	sld [smem:$0x3FD9]  }
0x89: {  	s3 =	sld [smem:$0x3FFE];
	_ =	sdelay $0x1  }
0x8a: {  	s1 =	srdreg.scid  }
0x8b: {  	s0 =	sand.u32 $0x1, s1  }
0x8c: {  	s17 =	sshll.u32 s0, $0xA;
	s2 =	sadd.s32 s3, s2  }
0x8d: {  	s2 =	sadd.s32 s2, s17  }
0x8e: {  	[smem:$0x3FC5] =	sst s2  }
0x8f: {  	_ = 	snop  }
0x90: {  	s2 =	sld [smem:$0x3FD0];
	(tm) =	ssettm $0x1  }
0x91: {  	s18 =	sld [smem:$0x3FFB];
	_ =	sdelay $0x3  }
0x92: {  	_ =	strace s18  }
0x93: {  	s3 =	sld [smem:$0x3FFC];
	_ =	sdelay $0x3  }
0x94: {  	_ =	strace s3  }
0x95: {  	s3 =	sld [smem:$0x3FFD];
	_ =	sdelay $0x3  }
0x96: {  	_ =	strace s3  }
0x97: {  	_ =	strace $0x8FFFFFFF  }
0x98: {  	s19 =	sld [smem:$0x3FDB];
	_ =	sdelay $0x1  }
0x99: {  	s4 =	simm.s32 $_scs_section_size  }
0x9a: {  	s5 =	simm.s32 $_size__tile_overlayer_lowered;
	s6 =	simm.s32 $_tile_overlayer_lowered  }
0x9b: {  	s22 =	simm.s32 $0x1BFF;
	s21 =	sshll.u32 s6, $0x1;
	s3 =	sadd.s32 s4, s19  }
0x9c: {  	s7 =	simm.s32 $0x0;
	s20 =	sshll.u32 s5, $0x1;
	s5 =	sadd.s32 s21, s3  }
0x9d: {  	[timem:s7], [sflag:s22] =	dma.local [hbm:s5], s20  }
0x9e: {  	_ =	swait.ge [sflag:s22], s20  }
0x9f: {  	s4 =	ssub.s32 $0x0, s20;
	[sflag:s22] =	ssyncset.done $0x0  }
0xa0: {  	[sflag:s22] =	ssyncadd.s32 s4;
	_ =	sdelay $0x1  }
0xa1: {  	s23 =	simm.s32 $0x1B8B  }
0xa2: {  	_ =	swait.ge [sflag:s23], $0x1  }
0xa3: {  	[sflag:s23] =	ssyncset.done $0x0  }
0xa4: {  	s25 =	simm.s32 $0x1B8E;
	s24 =	sld [smem:$0x3FFE];
	[sflag:s23] =	ssyncadd.s32 $0xFFFFFFFF  }
0xa5: {  	s26 =	simm.s32 $execute0_lowered;
	[smem:$0x3FD2] =	sst s25  }
0xa6: {  	s5 =	sshll.u32 s26, $0x1;
	_ =	strace $0x80000046;
	[dreg:$0x1] =	wrdreg $0xFFFFFFFF  }
0xa7: {  	s28 =	simm.s32 $_size_execute0_lowered;
	s3 =	sadd.s32 s3, s5;
	[dreg:$0x0] =	wrdreg $0x0  }
0xa8: {  	s5 =	sshll.u32 s28, $0x1;
	[dreg:$0x2] =	wrdreg s3  }
0xa9: {  	[dreg:$0x3] =	wrdreg s5  }
0xaa: {  	[dreg:$0x4] =	wrdreg $0xC0  }
0xab: {  	_ =	task [dreg:s7], $0x5FFFF  }
0xac: {  	[dreg:$0x1] =	wrdreg $0xFFFFFFFF  }
0xad: {  	[dreg:$0x0] =	wrdreg $0x60  }
0xae: {  	[dreg:$0x2] =	wrdreg s24  }
0xaf: {  	[dreg:$0x3] =	wrdreg s2  }
0xb0: {  	[dreg:$0x4] =	wrdreg $0x9  }
0xb1: {  	_ =	task.clear_ibuf [dreg:s7], $0x5FFFF;
	_ =	strace $0x90000046  }
0xb2: {  	s29 =	simm.s32 $0x9;
	_ =	strace $0x80000048  }
0xb3: {  	_ =	swait.ge [sflag:s29], $0x1  }
0xb4: {  	[sflag:s29] =	ssyncadd.s32 $0xFFFFFFFF  }
0xb5: {  	_ =	strace $0x90000048  }
0xb6: {  	_ =	sfence  }
0xb7: {  	s30 =	sld [smem:$0x0];
	_ =	sdelay $0x2  }
0xb8: {  	s31 =	sshll.u32 s1, $0xD;
	s1 =	sshrl.u32 s1, $0x2  }
0xb9: {  	s3 =	sand.u32 $0x4000, s31;
	s1 =	sadd.s32 s1, s30  }
0xba: {  	s0 =	sor.u32 s3, s0;
	s1 =	sshll.u32 s1, $0x11  }
0xbb: {  	s0 =	sor.u32 s1, s0  }
0xbc: {  	s0 =	sadd.s32 $0x8F2B, s0  }
0xbd: {  	[sflag:s0] =	ssyncadd.remote.s32 $0x1  }
0xbe: {  	_ =	sfence.sel $0xFFFF  }
0xbf: {  	[dreg:$0x0] =	wrdreg $0xFFFFFFFF;
	(pc) =	sbr.abs _section_cstart, $3  }
0xc0: {  	[dreg:$0x1] =	wrdreg $0xFFFFFFFF  }
0xc1: {  	_ =	task.clear_ibuf [dreg:s7], $0x2FFFF;
	_ =	strace $0x9FFFFFFF  }
0xc2: {  	(tm) =	ssettm $0x7FFFFFFF  }
0xc3: {  	_ =	shalt  }
tec
execute0_lowered:
.L_overlay_start_1:
0x0: {  	(tag) =	ssettag $0x1  }
0x1: {  	s8 =	rddreg [dreg:$0x0]  }
0x2: {  	s1 =	rddreg [dreg:$0x1]  }
0x3: {  	s0 =	rddreg [dreg:$0x2]  }
0x4: {  	s2 =	simm.s32 $0x0;
	s3 =	srdreg.scid;
	s4 =	stileid.u32  }
0x5: {  	s11 =	simm.s32 $0x1000;
	s12 =	simm.s32 $0x1;
	s13 =	simm.s32 $0x1400  }
0x6: {  	s14 =	simm.s32 $0x2C00;
	s15 =	simm.s32 $0xC00;
	s3 =	sand.u32 $0x1, s3  }
0x7: {  	s16 =	simm.s32 $0x0;
	[smem:$0x7FF] =	sst s2;
	s9 =	ssub.s32 $0x2, s3  }
0x8: {  	s5 =	sadd.s32 $0x1E89200, s8;
	s6 =	sadd.s32 $0xE00, s8;
	s10 =	sshrl.u32 s9, $0x1  }
0x9: {  	v0 =	vlaneseq.u32;
	s7 =	sadd.s32 $0x1000, s8;
	s8 =	sadd.s32 $0x1400, s8;
	s10 =	ssub.s32 s9, s10  }
0xa: {  	v0 =	vmul.u32 $0x3, v0;
	_ =	strace $0x80000047;
	s9 =	sshll.u32 s4, $0x1;
	s10 =	smax.u32 s10, $0x1  }
.LBB2_1:
0xb: {  	[tilespmem:s11], [sflag:$0x1] =	stream.linear.gather [hbm4b:s6+s2], $0x400, $0x38;
	[tilespmem:$0x2C80] =	vst v63  }
0xc: {  	_ =	swait.ge [sflag:s12], $0x400  }
0xd: {  	[sflag:s12] =	ssyncset.done $0x0  }
0xe: {  	[sflag:s12] =	ssyncadd.s32 $0xFFFFFC00  }
0xf: {  	[tilespmem:s13], [sflag:$0x1] =	stream.linear.gather [hbm4b:s7+s2], $0x1800, $0x38;
	[tilespmem:$0x2C80] =	vst v63  }
0x10: {  	_ =	swait.ge [sflag:s12], $0x1800  }
0x11: {  	[sflag:s12] =	ssyncset.done $0x0  }
0x12: {  	[sflag:s12] =	ssyncadd.s32 $0xFFFFE800  }
0x13: {  	[tilespmem:s14], [sflag:$0x1] =	stream.linear.gather [hbm4b:s8+s2], $0x80, $0x38;
	[tilespmem:$0x2C80] =	vst v63  }
0x14: {  	_ =	swait.ge [sflag:s12], $0x80  }
0x15: {  	[sflag:s12] =	ssyncset.done $0x0  }
0x16: {  	s17 =	simm.s32 $0x0;
	[sflag:s12] =	ssyncadd.s32 $0xFFFFFF80  }
.LBB2_2:
0x17: {  	s18 =	sshll.u32 s17, $0x5  }
0x18: {  	s18 =	sor.u32 s18, s9  }
0x19: {  	s18 =	sor.u32 s3, s18  }
0x1a: {  	s18 =	smin.u32 s18, $0x7A1  }
0x1b: {  	s18 =	sshll.u32 s18, $0xA  }
0x1c: {  	s18 =	smin.u32 s18, $0x1E8080  }
0x1d: {  	s19 =	smul.u32 $0x3, s18;
	_ =	sdelay $0x1  }
0x1e: {  	s19 =	sshrl.u32 s19, $0x3  }
0x1f: {  	s19 =	sadd.s32 s5, s19  }
0x20: {  	[tilespmem:s2], [sflag:$0x1] =	stream.linear.gather [hbm4b:s19+s2], $0xC00, $0x38;
	[tilespmem:$0x2C80] =	vst v63  }
0x21: {  	_ =	swait.ge [sflag:s12], $0xC00  }
0x22: {  	[sflag:s12] =	ssyncset.done $0x0  }
0x23: {  	s20 =	simm.s32 $0xC00;
	s19 =	simm.s32 $0x2;
	[sflag:s12] =	ssyncadd.s32 $0xFFFFF400  }
.LBB2_3:
0x24: {  	s21 =	sadd.s32 $0xFFFFFFFE, s19  }
0x25: {  	s31 =	sadd.s32 $0xFFFFFFFF, s19;
	v1 =	vadd.s32 s21, v0  }
0x26: {  	v2 =	vadd.s32 s31, v0;
	_ =	sdelay $0x1  }
0x27: {  	v3 =	vadd.s32 s19, v0;
	_ =	sdelay $0x1  }
0x28: {  	v1 =	vld.idx.msk [tilespmem:v1+s2+$0x0], $0xffff  }
0x29: {  	v2 =	vld.idx.msk [tilespmem:v2+s2+$0x0], $0xffff;
	_ =	sdelay $0x1  }
0x2a: {  	v3 =	vld.idx.msk [tilespmem:v3+s2+$0x0], $0xffff;
	_ =	sdelay $0x1  }
0x2b: {  	v1 =	vand.u32 $0x3FF, v1  }
0x2c: {  	v2 =	vand.u32 $0x3FF, v2;
	_ =	sdelay $0x1  }
0x2d: {  	v3 =	vand.u32 $0x3FF, v3;
	_ =	sdelay $0x1  }
0x2e: {  	v1 =	vld.idx.msk [tilespmem:v1+s11+$0x0], $0xffff  }
0x2f: {  	v2 =	vld.idx.msk [tilespmem:v2+s11+$0x0], $0xffff;
	_ =	sdelay $0x1  }
0x30: {  	v3 =	vld.idx.msk [tilespmem:v3+s11+$0x0], $0xffff;
	_ =	sdelay $0x2  }
0x31: {  	v1 =	vshll.u32 v1, $0x2;
	v2 =	vshll.u32 v2, $0x1  }
0x32: {  	v1 =	vor.u32 v1, v2  }
0x33: {  	v1 =	vor.u32 v3, v1  }
0x34: {  	v2 =	vshrl.u32 v1, $0x15  }
0x35: {  	v2 =	vand.u32 $0x1FF, v2;
	_ =	sdelay $0x4  }
0x36: {  	v2 =	vld.idx.msk [tilespmem:v2+s13+$0x0], $0xffff;
	_ =	sdelay $0x4  }
0x37: {  	v4 =	vshrl.u32 v1, $0xC;
	v3 =	vshll.u32 v2, $0x9  }
0x38: {  	v4 =	vand.u32 $0x1FF, v4;
	v3 =	vand.u32 $0x1E00, v3  }
0x39: {  	v3 =	vor.u32 v3, v4;
	_ =	sdelay $0x4  }
0x3a: {  	v3 =	vld.idx.msk [tilespmem:v3+s13+$0x0], $0xffff;
	_ =	sdelay $0x4  }
0x3b: {  	v5 =	vshrl.u32 v1, $0x3;
	v62 =	vshll.u32 v3, $0x9  }
0x3c: {  	v5 =	vand.u32 $0x1FF, v5;
	v4 =	vand.u32 $0x1E00, v62  }
0x3d: {  	v4 =	vor.u32 v5, v4;
	_ =	sdelay $0x4  }
0x3e: {  	v4 =	vld.idx.msk [tilespmem:v4+s13+$0x0], $0xffff;
	_ =	sdelay $0x4  }
0x3f: {  	v63 =	vshll.u32 v4, $0x3  }
0x40: {  	v1 =	vand.u32 $0x7, v1;
	v5 =	vand.u32 $0x78, v63  }
0x41: {  	v1 =	vor.u32 v1, v5;
	_ =	sdelay $0x4  }
0x42: {  	v1 =	vld.idx.msk [tilespmem:v1+s14+$0x0], $0xffff  }
0x43: {  	v2 =	vshll.u32 v2, $0x5  }
0x44: {  	p0 =	sne.s32 s19, $0xBD2;
	v2 =	vand.u32 $0xFFE00, v2;
	v3 =	vshrl.u32 v3, $0x4  }
.Ltmp0:
0x45: {  	v2 =	vor.u32 v3, v2;
	v3 =	vshra.s32 v4, $0x1;
	(pc) =	sbr.rel @p0 .LBB2_3-.Ltmp0, $4  }
0x46: {  	v2 =	vshll.u32 v2, $0xC;
	v3 =	vand.u32 $0xFFFFFFF8, v3  }
0x47: {  	v2 =	vor.u32 v3, v2;
	v1 =	vshra.s32 v1, $0x4  }
0x48: {  	v1 =	vor.u32 v1, v2  }
0x49: {  	s19 =	sadd.s32 $0x30, s19;
	[tilespmem:s20+$0x0] =	vst v1;
	s20 =	sadd.s32 $0x10, s20  }
0x4a: {  	s17 =	sadd.s32 $0x1, s17  }
0x4b: {  	s18 =	sshrl.u32 s18, $0x3;
	p0 =	sne.s32 s17, $0x3E  }
.Ltmp1:
0x4c: {  	s18 =	sadd.s32 s1, s18;
	(pc) =	sbr.rel @p0 .LBB2_2-.Ltmp1, $4  }
0x4d: {  	[hbm4b:s18+s2] =	stream.linear.scatter [tilespmem:s15], [sflag:$0x1], $0x400, $0x38;
	[tilespmem:$0x2C80] =	vst v63  }
0x4e: {  	_ =	swait.ge [sflag:s12], $0x400  }
0x4f: {  	[sflag:s12] =	ssyncset.done $0x0  }
0x50: {  	[sflag:s12] =	ssyncadd.s32 $0xFFFFFC00  }
0x51: {  	s16 =	sadd.s32 $0x1, s16  }
0x52: {  	p0 =	sne.s32 s16, s10  }
.Ltmp2:
0x53: {  	_ = 	snop;
	(pc) =	sbr.rel @p0 .LBB2_1-.Ltmp2, $1  }
0x54: {  	_ =	sdelay $0x3  }
0x55: {  	_ =	sfence.sel $0x180000  }
0x56: {  	[bflag:$0x0] =	sbarrier.arrive $0xFFFF  }
0x57: {  	p0 =	sne.s32 s4, $0x0;
	_ =	strace $0x90000047  }
0x58: {  	s0 =	sadd.s32 @!p0 $0x100000, s0;
	[bflag:$0x2] =	sbarrier.arrive $0xFFFF  }
0x59: {  	[sflag:s0] =	ssyncadd.tile.s32 @!p0 $0x1;
	_ =	shalt  }
.Lfunc_end2:
_tile_overlayer_lowered:
.L_overlay_start_2:
0x5a: {  	(tag) =	ssettag $0x2  }
0x5b: {  	s0 =	rddreg [dreg:$0x0];
	s2 =	stileid.u32  }
0x5c: {  	s1 =	rddreg [dreg:$0x1];
	p0 =	sne.s32 s2, $0x0  }
0x5d: {  	s3 =	rddreg [dreg:$0x2];
	[bflag:$0x3] =	sbarrier.arrive $0xFFFF;
	s2 =	simm.s32 @!p0 $0x1C01  }
0x5e: {  	[timem:s3], [sflag:s2] =	dma.local @!p0 [hbm:s0], s1  }
0x5f: {  	s0 =	simm.s32 @!p0 $0x1  }
0x60: {  	_ =	swait.ge @!p0 [sflag:s0], s1  }
0x61: {  	s1 =	ssub.s32 @!p0 $0x0, s1;
	[sflag:s0] =	ssyncset.done @!p0 $0x0  }
0x62: {  	[sflag:s0] =	ssyncadd.s32 @!p0 s1  }
0x63: {  	[bflag:$0x3] =	sbarrier.arrive $0xFFFF  }
0x64: {  	_ =	shalt  }

</sc_bundles>
